<compile_context>
chip_gen: v7x
topology: tpu7x:2x2x1
jax: 0.10.2.dev20260603
libtpu: 0.0.44.dev20260713+nightly
codegen_flags: <defaults>
</compile_context>

<pallas_src>
import functools

import jax
import jax.numpy as jnp
from jax import lax
from jax.experimental import pallas as pl
from jax.experimental.pallas import tpu as pltpu
from jax.experimental.pallas import tpu_sc as plsc

NC = 2
NS = 16
LANES = 16
NW = NC * NS
CP = 128
CLS_PER_W = CP // NW


@functools.partial(jax.jit, static_argnames=("A", "A_P"))
def _sc_pool(logits_t, idx_flat, w_flat, *, A, A_P):
    V, B = logits_t.shape
    n_ent = CP * A_P
    vec_b = B // LANES

    mesh = plsc.VectorSubcoreMesh(
        core_axis_name="c", subcore_axis_name="s", num_cores=NC, num_subcores=NS
    )

    @functools.partial(
        pl.kernel,
        mesh=mesh,
        compiler_params=pltpu.CompilerParams(needs_layout_passes=False),
        out_type=jax.ShapeDtypeStruct((CP, B), jnp.float32),
        scratch_types=[
            pltpu.VMEM((CP, A_P), jnp.int32),
            pltpu.VMEM((n_ent,), jnp.float32),
            pltpu.VMEM((A * LANES,), jnp.float32),
            pltpu.VMEM((A_P, B), jnp.float32),
            pltpu.VMEM((B,), jnp.float32),
            pltpu.SemaphoreType.DMA,
        ],
    )
    def pool(lt_hbm, idx_hbm, w_hbm, out_hbm, idx_v, w_v, ws_v, rows_v, acc_v,
             sem):
        wid = lax.axis_index("s") * NC + lax.axis_index("c")
        pltpu.sync_copy(idx_hbm, idx_v)
        pltpu.sync_copy(w_hbm, w_v)

        def cls_body(k, carry):
            c = wid * CLS_PER_W + k
            ent0 = c * A_P
            pltpu.async_copy(lt_hbm.at[idx_v.at[c]], rows_v, sem).wait()

            def splat(a, c2):
                ws_v[pl.ds(a * LANES, LANES)] = plsc.load_gather(
                    w_v, [jnp.full((LANES,), ent0 + a, jnp.int32)]
                )
                return c2

            lax.fori_loop(0, A, splat, 0)

            def col_body(q, c2):
                sl = pl.ds(q * LANES, LANES)

                def a_body(a, acc):
                    return acc + rows_v[a, sl] * ws_v[pl.ds(a * LANES, LANES)]

                acc_v[sl] = lax.fori_loop(
                    0, A, a_body, jnp.zeros((LANES,), jnp.float32)
                )
                return c2

            lax.fori_loop(0, vec_b, col_body, 0)
            pltpu.sync_copy(acc_v, out_hbm.at[c])
            return carry

        lax.fori_loop(0, CLS_PER_W, cls_body, 0)

    return pool(logits_t, idx_flat, w_flat)


def _lse_body(x_ref, out_ref, m_ref, sum_ref, *, nv, vb):
    j = pl.program_id(0)
    i = pl.program_id(1)

    LOG2E = 1.4426950408889634
    x = x_ref[...]
    bm = jnp.max(x, axis=0, keepdims=True)
    ones = jnp.ones((1, vb), jnp.float32)

    @pl.when(j == 0)
    def _init():
        m_ref[i] = bm
        e = jnp.exp2(x * LOG2E - bm * LOG2E)
        sum_ref[i] = jnp.dot(ones, e, preferred_element_type=jnp.float32)

    @pl.when(j > 0)
    def _accum():
        m_old = m_ref[i]
        m_new = jnp.maximum(m_old, bm)
        alpha = jnp.where(m_old == m_new, 1.0, jnp.exp(m_old - m_new))
        e = jnp.exp2(x * LOG2E - m_new * LOG2E)
        es = jnp.dot(ones, e, preferred_element_type=jnp.float32)
        sum_ref[i] = sum_ref[i] * alpha + es
        m_ref[i] = m_new

    @pl.when(j == nv - 1)
    def _finalize():
        out_ref[...] = m_ref[i] + jnp.log(sum_ref[i])


@functools.partial(jax.jit, static_argnames=("Bb", "vb"))
def _lse(logits_t, *, Bb, vb):
    V, B = logits_t.shape
    nb = B // Bb
    nv = V // vb

    return pl.pallas_call(
        functools.partial(_lse_body, nv=nv, vb=vb),
        grid=(nv, nb),
        in_specs=[pl.BlockSpec((vb, Bb), lambda j, i: (j, i))],
        out_specs=pl.BlockSpec((1, Bb), lambda j, i: (0, i)),
        out_shape=jax.ShapeDtypeStruct((1, B), jnp.float32),
        scratch_shapes=[
            pltpu.VMEM((nb, 1, Bb), jnp.float32),
            pltpu.VMEM((nb, 1, Bb), jnp.float32),
        ],
        compiler_params=pltpu.CompilerParams(
            dimension_semantics=("arbitrary", "arbitrary"),
        ),
    )(logits_t)


def _combine_body(pooled_ref, norm_ref, mask_ref, out_ref, *, C):
    mask = mask_ref[...]
    summask = jnp.sum(mask, axis=1, keepdims=True)
    denom = jnp.clip(summask, 1e-9, None)
    inv = 1.0 / denom
    scale = summask * inv
    res = pooled_ref[...] * inv - scale * norm_ref[...]
    out_ref[...] = res[:C, :]


@functools.partial(jax.jit, static_argnames=("C", "Bb"))
def _combine(pooled, norm, mask_cp, *, C, Bb):
    _, B = pooled.shape
    nb = B // Bb

    return pl.pallas_call(
        functools.partial(_combine_body, C=C),
        grid=(nb,),
        in_specs=[
            pl.BlockSpec((CP, Bb), lambda i: (0, i)),
            pl.BlockSpec((1, Bb), lambda i: (0, i)),
            pl.BlockSpec(mask_cp.shape, lambda i: (0, 0)),
        ],
        out_specs=pl.BlockSpec((C, Bb), lambda i: (0, i)),
        out_shape=jax.ShapeDtypeStruct((C, B), jnp.float32),
    )(pooled, norm, mask_cp)


def kernel(logits, word2label, label_words_mask):
    B, V = logits.shape
    C, A = word2label.shape
    assert C <= CP and B % (LANES * NW) == 0

    A_P = -(-A // 8) * 8
    idx_cp = jnp.zeros((CP, A_P), jnp.int32).at[:C, :A].set(word2label)
    w_cp = jnp.zeros((CP, A_P), jnp.float32).at[:C, :A].set(
        label_words_mask.astype(jnp.float32)
    )
    mask_cp = w_cp[:, :A]

    lt = logits.T
    pooled = _sc_pool(lt, idx_cp, w_cp.reshape(-1), A=A, A_P=A_P)

    vb = next(d for d in (4000, 2000, 1000, 800, 500, 400, 250, 200, 100, 50,
                          25, 20, 10, 8, 5, 4, 2, 1) if V % d == 0)
    norm = _lse(lt, Bb=B, vb=vb)

    out_t = _combine(pooled, norm, mask_cp, C=C, Bb=B)
    return out_t.T

# --- scband reference (transcript-rebuilt; emitter-appended) ---
"""Pipeline reference for scband-multi-answer-adaptive-verbalizer-75144747811472 (READ-ONLY COPY).

The authoritative reference and input builder live on the scoring server;
editing this copy changes nothing except your own understanding.
"""

import jax, jax.numpy as jnp
import numpy as np

B = 1024
V = 100000
C = 100
A = 20

def setup_inputs(seed: int = 0) -> dict:
    key = jax.random.key(seed)
    k1, k2 = jax.random.split(key)
    logits = jax.random.normal(k1, (B, V), dtype=jnp.float32)
    word2label = jax.random.randint(k2, (C, A), 0, V, dtype=jnp.int32)
    label_words_mask = jnp.ones((C, A), dtype=jnp.float32)
    return {"logits": logits, "word2label": word2label, "label_words_mask": label_words_mask}

def reference(logits, word2label, label_words_mask):
    # post_log_softmax=True: normalize over full vocab first (faithful to verbalizer
    # process_logits path: softmax over vocab -> project -> log)
    log_probs = jax.nn.log_softmax(logits, axis=-1)
    # project: gather each class's multi-answer label-word ids -> [B, C, A]
    gathered = jnp.take(log_probs, word2label.reshape(-1), axis=-1)
    gathered = gathered.reshape(logits.shape[0], word2label.shape[0], word2label.shape[1])
    # mask out padded answers, then aggregate (label_avg=True: masked mean over answers)
    masked = gathered * label_words_mask[None, :, :]
    denom = jnp.clip(label_words_mask.sum(axis=-1), 1e-9, None)
    class_logits = masked.sum(axis=-1) / denom[None, :]
    return class_logits

if __name__ == "__main__":
    import jax
    _d = setup_inputs()
    print(jax.jit(kernel)(*tuple(_d.values())))

</pallas_src>

<mosaic_0001>
#map = affine_map<(d0, d1) -> (0, 0)>
#map1 = affine_map<(d0, d1) -> (0)>
module attributes {stable_mosaic.version = 14 : i64} {
  func.func @pool(%arg0: i32, %arg1: i32, %arg2: memref<100000x1024xf32, #tpu.memory_space<hbm>>, %arg3: memref<128x24xi32, #tpu.memory_space<hbm>>, %arg4: memref<3072xf32, #tpu.memory_space<hbm>>, %arg5: memref<128x1024xf32, #tpu.memory_space<hbm>>, %arg6: memref<128x24xi32, #tpu.memory_space<vmem>>, %arg7: memref<3072xf32, #tpu.memory_space<vmem>>, %arg8: memref<320xf32, #tpu.memory_space<vmem>>, %arg9: memref<24x1024xf32, #tpu.memory_space<vmem>>, %arg10: memref<1024xf32, #tpu.memory_space<vmem>>, %arg11: memref<!tpu.dma_semaphore, #tpu.memory_space<semaphore_mem>>) attributes {dimension_semantics = [#tpu.dimension_semantics<core_parallel>, #tpu.dimension_semantics<subcore_parallel>], iteration_bounds = array<i64: 2, 16>, scalar_prefetch = 0 : i64, scratch_operands = 6 : i64, tpu.core_type = #tpu.core_type<sc_vector_subcore>, window_params = [{transform_indices = #map}, {transform_indices = #map}, {transform_indices = #map1}, {transform_indices = #map}]} {
    %mul3A = arith.constant 2 : i32
    %mul3A_0 = arith.muli %arg1, %mul3A : i32
    %add3A = arith.addi %mul3A_0, %arg0 : i32
    "tpu.region"() ({
      %run_scoped3A = tpu.sem_alloc : memref<!tpu.dma_semaphore, #tpu.memory_space<semaphore_mem>>
      tpu.enqueue_dma source(%arg3 : memref<128x24xi32, #tpu.memory_space<hbm>>) target(%arg6 : memref<128x24xi32, #tpu.memory_space<vmem>>) target_semaphore(%run_scoped3A : memref<!tpu.dma_semaphore, #tpu.memory_space<semaphore_mem>>)
      tpu.wait_dma2 semaphore(%run_scoped3A : memref<!tpu.dma_semaphore, #tpu.memory_space<semaphore_mem>>) src(%arg3 : memref<128x24xi32, #tpu.memory_space<hbm>>) dst(%arg6 : memref<128x24xi32, #tpu.memory_space<vmem>>)
      tpu.yield
    }) : () -> ()
    "tpu.region"() ({
      %run_scoped3A = tpu.sem_alloc : memref<!tpu.dma_semaphore, #tpu.memory_space<semaphore_mem>>
      tpu.enqueue_dma source(%arg4 : memref<3072xf32, #tpu.memory_space<hbm>>) target(%arg7 : memref<3072xf32, #tpu.memory_space<vmem>>) target_semaphore(%run_scoped3A : memref<!tpu.dma_semaphore, #tpu.memory_space<semaphore_mem>>)
      tpu.wait_dma2 semaphore(%run_scoped3A : memref<!tpu.dma_semaphore, #tpu.memory_space<semaphore_mem>>) src(%arg4 : memref<3072xf32, #tpu.memory_space<hbm>>) dst(%arg7 : memref<3072xf32, #tpu.memory_space<vmem>>)
      tpu.yield
    }) : () -> ()
    %scan3A = arith.constant 0 : i32
    %scan3A_1 = arith.constant 0 : i32
    %scan3A_2 = arith.constant 4 : i32
    %scan3A_3 = arith.addi %scan3A_1, %scan3A_2 : i32
    %scan3A_4 = arith.constant 1 : i32
    scf.for %scan3A_6 = %scan3A_1 to %scan3A_3 step %scan3A_4  : i32 {
      %mul3A_7 = arith.constant 4 : i32
      %mul3A_8 = arith.muli %add3A, %mul3A_7 : i32
      %add3A_9 = arith.addi %mul3A_8, %scan3A_6 : i32
      %mul3A_10 = arith.constant 24 : i32
      %mul3A_11 = arith.muli %add3A_9, %mul3A_10 : i32
      %dma_start3A = arith.constant 0 : i32
      %dma_start3A_12 = tpu.memref_slice %arg6[%add3A_9, %dma_start3A] : memref<128x24xi32, #tpu.memory_space<vmem>> -> memref<1x24xi32, #tpu.memory_space<vmem>>
      %dma_start3A_13 = tpu.memref_squeeze %dma_start3A_12 : memref<1x24xi32, #tpu.memory_space<vmem>> -> memref<24xi32, #tpu.memory_space<vmem>>
      %dma_start3A_14 = arith.constant 0 : i32
      %dma_start3A_15 = arith.constant 0 : i32
      %dma_start3A_16 = tpu.memref_slice %arg2[%dma_start3A_14, %dma_start3A_15] : memref<100000x1024xf32, #tpu.memory_space<hbm>> -> memref<100000x1024xf32, #tpu.memory_space<hbm>>
      tpu.enqueue_indirect_dma source(%dma_start3A_16 : memref<100000x1024xf32, #tpu.memory_space<hbm>>) target(%arg9 : memref<24x1024xf32, #tpu.memory_space<vmem>>) offsets(%dma_start3A_13 : memref<24xi32, #tpu.memory_space<vmem>>) semaphore(%arg11 : memref<!tpu.dma_semaphore, #tpu.memory_space<semaphore_mem>>)
      %dma_wait3A = arith.constant 0 : i32
      %dma_wait3A_17 = tpu.memref_slice %arg6[%add3A_9, %dma_wait3A] : memref<128x24xi32, #tpu.memory_space<vmem>> -> memref<1x24xi32, #tpu.memory_space<vmem>>
      %dma_wait3A_18 = tpu.memref_squeeze %dma_wait3A_17 : memref<1x24xi32, #tpu.memory_space<vmem>> -> memref<24xi32, #tpu.memory_space<vmem>>
      %dma_wait3A_19 = arith.constant 0 : i32
      %dma_wait3A_20 = arith.constant 0 : i32
      %dma_wait3A_21 = tpu.memref_slice %arg2[%dma_wait3A_19, %dma_wait3A_20] : memref<100000x1024xf32, #tpu.memory_space<hbm>> -> memref<100000x1024xf32, #tpu.memory_space<hbm>>
      tpu.wait_indirect_dma semaphore(%arg11 : memref<!tpu.dma_semaphore, #tpu.memory_space<semaphore_mem>>) src(%dma_wait3A_21 : memref<100000x1024xf32, #tpu.memory_space<hbm>>) dst(%arg9 : memref<24x1024xf32, #tpu.memory_space<vmem>>)
      %scan3A_22 = arith.constant 0 : i32
      %scan3A_23 = arith.constant 0 : i32
      %scan3A_24 = arith.constant 20 : i32
      %scan3A_25 = arith.addi %scan3A_23, %scan3A_24 : i32
      %scan3A_26 = arith.constant 1 : i32
      scf.for %scan3A_34 = %scan3A_23 to %scan3A_25 step %scan3A_26  : i32 {
        %add3A_35 = arith.addi %mul3A_11, %scan3A_34 : i32
        %broadcast_in_dim3A = vector.broadcast %add3A_35 : i32 to vector<16xi32>
        %gather3A = tpu.vector_load_idx %arg7[%broadcast_in_dim3A] : memref<3072xf32, #tpu.memory_space<vmem>>[vector<16xi32>], vector<16xf32>,
        %mul3A_36 = arith.constant 16 : i32
        %mul3A_37 = arith.muli %scan3A_34, %mul3A_36 : i32
        %swap3A = arith.index_cast %mul3A_37 : i32 to index
        %swap3A_38 = tpu.vector_load %arg8[%swap3A] {strides = array<i32>} : memref<320xf32, #tpu.memory_space<vmem>>, vector<16xf32>,
        tpu.vector_store %arg8[%swap3A], %gather3A {strides = array<i32>} : memref<320xf32, #tpu.memory_space<vmem>>, vector<16xf32>,
      }
      %scan3A_27 = arith.constant 20 : i32
      %scan3A_28 = arith.constant 0 : i32
      %scan3A_29 = arith.constant 0 : i32
      %scan3A_30 = arith.constant 64 : i32
      %scan3A_31 = arith.addi %scan3A_29, %scan3A_30 : i32
      %scan3A_32 = arith.constant 1 : i32
      scf.for %scan3A_34 = %scan3A_29 to %scan3A_31 step %scan3A_32  : i32 {
        %mul3A_35 = arith.constant 16 : i32
        %mul3A_36 = arith.muli %scan3A_34, %mul3A_35 : i32
        %broadcast_in_dim3A = arith.constant 0.000000e+00 : f32
        %broadcast_in_dim3A_37 = vector.broadcast %broadcast_in_dim3A : f32 to vector<16xf32>
        %scan3A_38 = arith.constant 0 : i32
        %scan3A_39 = arith.constant 20 : i32
        %scan3A_40 = arith.addi %scan3A_38, %scan3A_39 : i32
        %scan3A_41 = arith.constant 1 : i32
        %scan3A_42 = scf.for %scan3A_45 = %scan3A_38 to %scan3A_40 step %scan3A_41 iter_args(%scan3A_46 = %broadcast_in_dim3A_37) -> (vector<16xf32>)  : i32 {
          %get3A = arith.index_cast %scan3A_45 : i32 to index
          %get3A_47 = arith.index_cast %mul3A_36 : i32 to index
          %get3A_48 = tpu.vector_load %arg9[%get3A, %get3A_47] {strides = array<i32>} : memref<24x1024xf32, #tpu.memory_space<vmem>>, vector<16xf32>,
          %mul3A_49 = arith.constant 16 : i32
          %mul3A_50 = arith.muli %scan3A_45, %mul3A_49 : i32
          %get3A_51 = arith.index_cast %mul3A_50 : i32 to index
          %get3A_52 = tpu.vector_load %arg8[%get3A_51] {strides = array<i32>} : memref<320xf32, #tpu.memory_space<vmem>>, vector<16xf32>,
          %mul3A_53 = arith.mulf %get3A_48, %get3A_52 : vector<16xf32>
          %add3A_54 = arith.addf %scan3A_46, %mul3A_53 : vector<16xf32>
          scf.yield %add3A_54 : vector<16xf32>
        }
        %scan3A_43 = arith.constant 20 : i32
        %swap3A = arith.index_cast %mul3A_36 : i32 to index
        %swap3A_44 = tpu.vector_load %arg10[%swap3A] {strides = array<i32>} : memref<1024xf32, #tpu.memory_space<vmem>>, vector<16xf32>,
        tpu.vector_store %arg10[%swap3A], %scan3A_42 {strides = array<i32>} : memref<1024xf32, #tpu.memory_space<vmem>>, vector<16xf32>,
      }
      %scan3A_33 = arith.constant 64 : i32
      "tpu.region"() ({
        %run_scoped3A = tpu.sem_alloc : memref<!tpu.dma_semaphore, #tpu.memory_space<semaphore_mem>>
        %dma_start3A_34 = arith.constant 0 : i32
        %dma_start3A_35 = tpu.memref_slice %arg5[%add3A_9, %dma_start3A_34] : memref<128x1024xf32, #tpu.memory_space<hbm>> -> memref<1x1024xf32, #tpu.memory_space<hbm>>
        %dma_start3A_36 = tpu.memref_squeeze %dma_start3A_35 : memref<1x1024xf32, #tpu.memory_space<hbm>> -> memref<1024xf32, #tpu.memory_space<hbm>>
        %dma_start3A_37 = arith.constant 0 : i32
        %dma_start3A_38 = tpu.memref_slice %arg5[%add3A_9, %dma_start3A_37] : memref<128x1024xf32, #tpu.memory_space<hbm>> -> memref<1x1024xf32, #tpu.memory_space<hbm>>
        %dma_start3A_39 = tpu.memref_squeeze %dma_start3A_38 : memref<1x1024xf32, #tpu.memory_space<hbm>> -> memref<1024xf32, #tpu.memory_space<hbm>>
        tpu.enqueue_dma source(%arg10 : memref<1024xf32, #tpu.memory_space<vmem>>) target(%dma_start3A_39 : memref<1024xf32, #tpu.memory_space<hbm>>) target_semaphore(%run_scoped3A : memref<!tpu.dma_semaphore, #tpu.memory_space<semaphore_mem>>)
        %dma_wait3A_40 = arith.constant 0 : i32
        %dma_wait3A_41 = tpu.memref_slice %arg5[%add3A_9, %dma_wait3A_40] : memref<128x1024xf32, #tpu.memory_space<hbm>> -> memref<1x1024xf32, #tpu.memory_space<hbm>>
        %dma_wait3A_42 = tpu.memref_squeeze %dma_wait3A_41 : memref<1x1024xf32, #tpu.memory_space<hbm>> -> memref<1024xf32, #tpu.memory_space<hbm>>
        %dma_wait3A_43 = arith.constant 0 : i32
        %dma_wait3A_44 = tpu.memref_slice %arg5[%add3A_9, %dma_wait3A_43] : memref<128x1024xf32, #tpu.memory_space<hbm>> -> memref<1x1024xf32, #tpu.memory_space<hbm>>
        %dma_wait3A_45 = tpu.memref_squeeze %dma_wait3A_44 : memref<1x1024xf32, #tpu.memory_space<hbm>> -> memref<1024xf32, #tpu.memory_space<hbm>>
        tpu.wait_dma2 semaphore(%run_scoped3A : memref<!tpu.dma_semaphore, #tpu.memory_space<semaphore_mem>>) src(%arg10 : memref<1024xf32, #tpu.memory_space<vmem>>) dst(%dma_wait3A_45 : memref<1024xf32, #tpu.memory_space<hbm>>)
        tpu.yield
      }) : () -> ()
    }
    %scan3A_5 = arith.constant 4 : i32
    return
  }
}

</mosaic_0001>

<sc_bundles>
// kernel: _sc_pool.3.cloned.1.call-start
scs
__scs_entry_jumppad:
0x0: {  	(pc) =	sbr.rel $0x88, $3  }
0x1: {  	(tag) =	ssettag $0x0;
	lr =	simm.s32 $0x1  }
0x2: {  	[smem:$0x3F9E] =	sst lr;
	_ =	strace $0xD0000000  }
0x3: {  	_ = 	snop  }
0x4: {  	_ = 	snop  }
0x5: {  	_ = 	snop  }
0x6: {  	_ = 	snop  }
0x7: {  	_ = 	snop  }
__scs_overlays_trampoline_lowered:
0x8: {  	[smem:$0x3FAD] =	sst s0  }
0x9: {  	[smem:$0x3FAE] =	sst s1  }
0xa: {  	[smem:$0x3FAF] =	sst s2  }
0xb: {  	[smem:$0x3FB0] =	sst s3  }
0xc: {  	[smem:$0x3FB1] =	sst s4  }
0xd: {  	[smem:$0x3FB2] =	sst s5  }
0xe: {  	[smem:$0x3FB3] =	sst s6  }
0xf: {  	[smem:$0x3FB4] =	sst s7  }
0x10: {  	[smem:$0x3FB5] =	sst s8  }
0x11: {  	[smem:$0x3FB6] =	sst s9;
	s0 =	simm.s32 @!p0 $0x0  }
0x12: {  	s1 =	sld [smem:$0x3F9C];
	s0 =	simm.s32 @p0 $0x1  }
0x13: {  	[smem:$0x3FB7] =	sst s0;
	s0 =	simm.s32 @!p1 $0x0  }
0x14: {  	s2 =	sld [smem:$0x3F9B];
	s0 =	simm.s32 @p1 $0x1  }
0x15: {  	[smem:$0x3FB8] =	sst s0;
	s0 =	simm.s32 @!p2 $0x0  }
0x16: {  	s3 =	sld [smem:$0x3FDB];
	s0 =	simm.s32 @p2 $0x1  }
0x17: {  	s4 =	simm.s32 $0x1BF5;
	[smem:$0x3FBA] =	sst s0  }
0x18: {  	s0 =	sld [smem:$0x3F9D];
	_ =	swait.ge [sflag:s4], $0x0  }
0x19: {  	s7 =	sld [smem:$0x3F9E]  }
0x1a: {  	s8 =	sadd.s32 $0xFFFFE003, lr  }
0x1b: {  	s9 =	sadd.s32 $0xFFFFFEF7, lr;
	s5 =	simm.s32 $0xFFFFFFFF;
	p2 =	slt.u32 s8, $0xFFFFF086  }
0x1c: {  	p1 =	slt.u32 s9, $0xF7A;
	s5 =	simm.s32 @!p2 $0x0  }
0x1d: {  	s5 =	simm.s32 @p1 $0x1;
	p0 =	seq.s32 s7, s2  }
0x1e: {  	s7 =	smul.u32 @!p0 $0xF7A, s2;
	p2 =	seq.s32 @!p0 s5, $0x0  }
0x1f: {  	s9 =	smul.u32 $0xF7A, s1;
	s8 =	simm.s32 @!p0 $0x1BF5;
	p2 =	por !p2, p0  }
0x20: {  	[sflag:s8] =	ssyncset.s32 @!p0 $0xFFFFF086;
	s6 =	sadd.s32 @!p0 s3, s7;
	s7 =	simm.s32 @!p0 $0x108  }
0x21: {  	s3 =	sadd.s32 s3, s9;
	s6 =	sadd.s32 @!p0 $0x88, s6;
	s7 =	simm.s32 @p2 $0x1082  }
0x22: {  	[simem:s7], [sflag:s8] =	dma.local @!p0 [hbm:s6], $0xF7A  }
0x23: {  	s9 =	sor.u32 $0xD0000000, s2;
	s6 =	simm.s32 $0x108;
	_ =	swait.ge @!p0 [sflag:s8], $0x0  }
0x24: {  	s3 =	sadd.s32 $0x88, s3;
	s6 =	simm.s32 @!p1 $0x1082;
	[sflag:s4] =	ssyncset.s32 $0xFFFFF086  }
0x25: {  	[simem:s6], [sflag:s4] =	dma.local [hbm:s3], $0xF7A  }
0x26: {  	[smem:$0x3F9E] =	sst s1;
	(tag) =	ssettag s2;
	_ =	strace s9  }
0x27: {  	s1 =	sld [smem:$0x3FAE]  }
0x28: {  	s2 =	sld [smem:$0x3FAF]  }
0x29: {  	s4 =	sld [smem:$0x3FB1]  }
0x2a: {  	p0 =	seq.s32 s5, $0x0;
	s5 =	sld [smem:$0x3FB2]  }
0x2b: {  	s6 =	sld [smem:$0x3FB3]  }
0x2c: {  	s7 =	sld [smem:$0x3FB4]  }
0x2d: {  	s3 =	simm.s32 $0x108;
	s8 =	sld [smem:$0x3FB5]  }
0x2e: {  	s3 =	simm.s32 @!p0 $0x1082;
	s9 =	sld [smem:$0x3FB6]  }
0x2f: {  	lr =	sadd.s32 s0, s3;
	s0 =	sld [smem:$0x3FAD]  }
0x30: {  	s3 =	sld [smem:$0x3FB0]  }
0x31: {  	[smem:$0x3FB9] =	sst s10  }
0x32: {  	s10 =	sld [smem:$0x3FB7];
	_ =	sdelay $0x3  }
0x33: {  	p0 =	seq.s32 s10, $0x1;
	s10 =	sld [smem:$0x3FB9];
	_ =	sdelay $0x3  }
0x34: {  	[smem:$0x3FB9] =	sst s10  }
0x35: {  	s10 =	sld [smem:$0x3FB8];
	_ =	sdelay $0x3  }
0x36: {  	p1 =	seq.s32 s10, $0x1;
	s10 =	sld [smem:$0x3FB9];
	_ =	sdelay $0x3  }
0x37: {  	[smem:$0x3FB9] =	sst s10  }
0x38: {  	s10 =	sld [smem:$0x3FBA]  }
0x39: {  	_ = 	snop;
	(pc) =	sbr.ind lr, $3  }
0x3a: {  	_ = 	snop  }
0x3b: {  	_ = 	snop  }
0x3c: {  	p2 =	seq.s32 s10, $0x1;
	s10 =	sld [smem:$0x3FB9]  }
0x3d: {  	_ =	shalt  }
0x3e: {  	_ =	shalt  }
0x3f: {  	_ =	shalt  }
0x40: {  	_ =	shalt  }
0x41: {  	_ =	shalt  }
0x42: {  	_ =	shalt  }
0x43: {  	_ =	shalt  }
0x44: {  	_ =	shalt  }
0x45: {  	_ =	shalt  }
0x46: {  	_ =	shalt  }
0x47: {  	_ =	shalt  }
0x48: {  	_ =	shalt  }
0x49: {  	_ =	shalt  }
0x4a: {  	_ =	shalt  }
0x4b: {  	_ =	shalt  }
0x4c: {  	_ =	shalt  }
0x4d: {  	_ =	shalt  }
0x4e: {  	_ =	shalt  }
0x4f: {  	_ =	shalt  }
0x50: {  	_ =	shalt  }
0x51: {  	_ =	shalt  }
0x52: {  	_ =	shalt  }
0x53: {  	_ =	shalt  }
0x54: {  	_ =	shalt  }
0x55: {  	_ =	shalt  }
0x56: {  	_ =	shalt  }
0x57: {  	_ =	shalt  }
0x58: {  	_ =	shalt  }
0x59: {  	_ =	shalt  }
0x5a: {  	_ =	shalt  }
0x5b: {  	_ =	shalt  }
0x5c: {  	_ =	shalt  }
0x5d: {  	_ =	shalt  }
0x5e: {  	_ =	shalt  }
0x5f: {  	_ =	shalt  }
0x60: {  	_ =	shalt  }
0x61: {  	_ =	shalt  }
0x62: {  	_ =	shalt  }
0x63: {  	_ =	shalt  }
0x64: {  	_ =	shalt  }
0x65: {  	_ =	shalt  }
0x66: {  	_ =	shalt  }
0x67: {  	_ =	shalt  }
0x68: {  	_ =	shalt  }
0x69: {  	_ =	shalt  }
0x6a: {  	_ =	shalt  }
0x6b: {  	_ =	shalt  }
0x6c: {  	_ =	shalt  }
0x6d: {  	_ =	shalt  }
0x6e: {  	_ =	shalt  }
0x6f: {  	_ =	shalt  }
0x70: {  	_ =	shalt  }
0x71: {  	_ =	shalt  }
0x72: {  	_ =	shalt  }
0x73: {  	_ =	shalt  }
0x74: {  	_ =	shalt  }
0x75: {  	_ =	shalt  }
0x76: {  	_ =	shalt  }
0x77: {  	_ =	shalt  }
0x78: {  	_ =	shalt  }
0x79: {  	_ =	shalt  }
0x7a: {  	_ =	shalt  }
0x7b: {  	_ =	shalt  }
0x7c: {  	_ =	shalt  }
0x7d: {  	_ =	shalt  }
0x7e: {  	_ =	shalt  }
0x7f: {  	_ =	shalt  }
0x80: {  	_ =	shalt  }
0x81: {  	_ =	shalt  }
0x82: {  	_ =	shalt  }
0x83: {  	_ =	shalt  }
0x84: {  	_ =	shalt  }
0x85: {  	_ =	shalt  }
0x86: {  	_ =	shalt  }
0x87: {  	_ =	shalt  }
.Lfunc_end0:
.L_simem_size_0:
called_computation_lowered:
.L_overlay_start_0:
0x88: {  	s2 =	sld [smem:$0x3FD9]  }
0x89: {  	s3 =	sld [smem:$0x3FFE];
	_ =	sdelay $0x1  }
0x8a: {  	s1 =	srdreg.scid  }
0x8b: {  	s0 =	sand.u32 $0x1, s1  }
0x8c: {  	s17 =	sshll.u32 s0, $0xA;
	s2 =	sadd.s32 s3, s2  }
0x8d: {  	s2 =	sadd.s32 s2, s17  }
0x8e: {  	[smem:$0x3FC5] =	sst s2  }
0x8f: {  	_ = 	snop  }
0x90: {  	s2 =	sld [smem:$0x3FC9]  }
0x91: {  	s18 =	sld [smem:$0x3FC7]  }
0x92: {  	s4 =	sld [smem:$0x3FD0];
	(tm) =	ssettm $0x1  }
0x93: {  	s5 =	sld [smem:$0x3FFB];
	_ =	sdelay $0x3  }
0x94: {  	_ =	strace s5  }
0x95: {  	s5 =	sld [smem:$0x3FFC];
	_ =	sdelay $0x3  }
0x96: {  	_ =	strace s5  }
0x97: {  	s5 =	sld [smem:$0x3FFD];
	_ =	sdelay $0x3  }
0x98: {  	_ =	strace s5  }
0x99: {  	_ =	strace $0x8FFFFFFF  }
0x9a: {  	s19 =	sld [smem:$0x3FDB];
	_ =	sdelay $0x1  }
0x9b: {  	s6 =	simm.s32 $_scs_section_size  }
0x9c: {  	s7 =	simm.s32 $_size__tile_overlayer_lowered;
	s8 =	simm.s32 $_tile_overlayer_lowered  }
0x9d: {  	s22 =	simm.s32 $0x1BFF;
	s21 =	sshll.u32 s8, $0x1;
	s5 =	sadd.s32 s6, s19  }
0x9e: {  	s9 =	simm.s32 $0x0;
	s20 =	sshll.u32 s7, $0x1;
	s7 =	sadd.s32 s21, s5  }
0x9f: {  	[timem:s9], [sflag:s22] =	dma.local [hbm:s7], s20  }
0xa0: {  	_ =	swait.ge [sflag:s22], s20  }
0xa1: {  	s6 =	ssub.s32 $0x0, s20;
	[sflag:s22] =	ssyncset.done $0x0  }
0xa2: {  	[sflag:s22] =	ssyncadd.s32 s6;
	_ =	sdelay $0x1  }
0xa3: {  	s23 =	simm.s32 $0x1B8B  }
0xa4: {  	_ =	swait.ge [sflag:s23], $0x1  }
0xa5: {  	[sflag:s23] =	ssyncset.done $0x0  }
0xa6: {  	s25 =	simm.s32 $0x1B8E;
	s24 =	sld [smem:$0x3FFE];
	[sflag:s23] =	ssyncadd.s32 $0xFFFFFFFF  }
0xa7: {  	s26 =	simm.s32 $execute0_lowered;
	[smem:$0x3FD2] =	sst s25  }
0xa8: {  	s7 =	sshll.u32 s26, $0x1;
	_ =	strace $0x80000046;
	[dreg:$0x1] =	wrdreg $0xFFFFFFFF  }
0xa9: {  	s28 =	simm.s32 $_size_execute0_lowered;
	s5 =	sadd.s32 s5, s7;
	[dreg:$0x0] =	wrdreg $0x0  }
0xaa: {  	s7 =	sshll.u32 s28, $0x1;
	[dreg:$0x2] =	wrdreg s5  }
0xab: {  	[dreg:$0x3] =	wrdreg s7  }
0xac: {  	[dreg:$0x4] =	wrdreg $0xC0  }
0xad: {  	_ =	task [dreg:s9], $0x5FFFF  }
0xae: {  	[dreg:$0x1] =	wrdreg $0xFFFFFFFF  }
0xaf: {  	[dreg:$0x0] =	wrdreg $0x60  }
0xb0: {  	[dreg:$0x2] =	wrdreg s2  }
0xb1: {  	[dreg:$0x3] =	wrdreg s24  }
0xb2: {  	[dreg:$0x4] =	wrdreg s18  }
0xb3: {  	[dreg:$0x5] =	wrdreg s4  }
0xb4: {  	[dreg:$0x6] =	wrdreg $0x9  }
0xb5: {  	_ =	task.clear_ibuf [dreg:s9], $0x7FFFF;
	_ =	strace $0x90000046  }
0xb6: {  	s29 =	simm.s32 $0x9;
	_ =	strace $0x80000048  }
0xb7: {  	_ =	swait.ge [sflag:s29], $0x1  }
0xb8: {  	[sflag:s29] =	ssyncadd.s32 $0xFFFFFFFF  }
0xb9: {  	_ =	strace $0x90000048  }
0xba: {  	_ =	sfence  }
0xbb: {  	s30 =	sld [smem:$0x0];
	_ =	sdelay $0x2  }
0xbc: {  	s31 =	sshll.u32 s1, $0xD;
	s1 =	sshrl.u32 s1, $0x2  }
0xbd: {  	s3 =	sand.u32 $0x4000, s31;
	s1 =	sadd.s32 s1, s30  }
0xbe: {  	s0 =	sor.u32 s3, s0;
	s1 =	sshll.u32 s1, $0x11  }
0xbf: {  	s0 =	sor.u32 s1, s0  }
0xc0: {  	s0 =	sadd.s32 $0x8F2B, s0  }
0xc1: {  	[sflag:s0] =	ssyncadd.remote.s32 $0x1  }
0xc2: {  	_ =	sfence.sel $0xFFFF  }
0xc3: {  	[dreg:$0x0] =	wrdreg $0xFFFFFFFF;
	(pc) =	sbr.abs _section_cstart, $3  }
0xc4: {  	[dreg:$0x1] =	wrdreg $0xFFFFFFFF  }
0xc5: {  	_ =	task.clear_ibuf [dreg:s9], $0x2FFFF;
	_ =	strace $0x9FFFFFFF  }
0xc6: {  	(tm) =	ssettm $0x7FFFFFFF  }
0xc7: {  	_ =	shalt  }
tec
execute0_lowered:
.L_overlay_start_1:
0x0: {  	(tag) =	ssettag $0x1  }
0x1: {  	s1 =	rddreg [dreg:$0x0]  }
0x2: {  	s0 =	rddreg [dreg:$0x1]  }
0x3: {  	s2 =	rddreg [dreg:$0x3];
	s3 =	simm.s32 $0x0  }
0x4: {  	s22 =	srdreg.scid;
	s8 =	stileid.u32;
	s13 =	simm.s32 $0x2  }
0x5: {  	s14 =	simm.s32 $0x4000;
	s19 =	simm.s32 $0x6D80;
	s20 =	simm.s32 $0x7580  }
0x6: {  	s21 =	simm.s32 $0x7D80;
	s28 =	simm.s32 $0x1;
	s29 =	simm.s32 $0x80  }
0x7: {  	s30 =	simm.s32 $0x400;
	s31 =	simm.s32 $0xAD80;
	[smem:$0x7FF] =	sst s3  }
0x8: {  	s3 =	sand.u32 $0x1, s22;
	s0 =	sadd.s32 $0x400, s0;
	s5 =	sshll.u32 s8, $0x3  }
0x9: {  	s24 =	smul.u32 $0xC0, s8;
	s7 =	sadd.s32 $0x100, s1;
	s25 =	sshll.u32 s8, $0xA  }
0xa: {  	s8 =	sadd.s32 $0x200, s1;
	s9 =	sadd.s32 $0x300, s1;
	s22 =	simm.s32 $0x8580  }
0xb: {  	_ =	strace $0x80000047;
	[dreg:$0x5] =	wrdreg s0;
	s23 =	ssub.s32 $0x2, s3  }
0xc: {  	s6 =	sshll.u32 s3, $0x2;
	s3 =	smul.u32 $0x60, s3;
	s10 =	sadd.s32 s2, s25  }
0xd: {  	s25 =	simm.s32 $0x9D80;
	s2 =	simm.s32 $0x0;
	s4 =	sshrl.u32 s23, $0x1  }
0xe: {  	v2 =	vlaneseq.u32;
	s6 =	sor.u32 s6, s5;
	s0 =	ssub.s32 s23, s4;
	s26 =	sadd.s32 s3, s24  }
0xf: {  	vm0 =	vmmov $0xffff;
	v1 =	vshrl.u32 v2, $0x3;
	s23 =	simm.s32 $0x8D80;
	s0 =	smax.u32 s0, $0x1;
	[dreg:$0x7] =	wrdreg s26  }
0x10: {  	v0 =	vand.u32 $0x7, v2;
	v2 =	vor.u32 $0x8, v2;
	v1 =	vmul.u32 $0x8, v1;
	s24 =	simm.s32 $0x9580;
	s26 =	simm.s32 $0xA580;
	[dreg:$0x6] =	wrdreg s0  }
.LBB2_1:
0x11: {  	[dreg:$0x8] =	wrdreg s2  }
0x12: {  	s17 =	simm.s32 $0x0;
	s0 =	rddreg [dreg:$0x5]  }
0x13: {  	[tilespmem:s17], [sflag:$0x2] =	stream.linear.gather [hbm4b:s0+s17], $0x4000, $0x38;
	[tilespmem:$0xB180] =	vst v63  }
0x14: {  	_ =	swait.ge [sflag:s13], $0x4000  }
0x15: {  	[sflag:s13] =	ssyncset.done $0x0  }
0x16: {  	[sflag:s13] =	ssyncadd.s32 $0xFFFFC000  }
0x17: {  	s18 =	rddreg [dreg:$0x2]  }
0x18: {  	[tilespmem:s14], [sflag:$0x2] =	stream.linear.gather [hbm4b:s18+s17], $0xC00, $0x38;
	[tilespmem:$0xB180] =	vst v63  }
0x19: {  	_ =	swait.ge [sflag:s13], $0xC00  }
0x1a: {  	[sflag:s13] =	ssyncset.done $0x0  }
0x1b: {  	s2 =	simm.s32 $0x0;
	s12 =	rddreg [dreg:$0x7];
	[sflag:s13] =	ssyncadd.s32 $0xFFFFF400  }
.LBB2_2:
0x1c: {  	s3 =	sadd.s32 s6, s2  }
0x1d: {  	s0 =	sshll.u32 s3, $0x7  }
0x1e: {  	s0 =	sand.u32 $0x3FFFFF80, s0  }
0x1f: {  	v3 =	vld [tilespmem:s0+$0x0];
	_ =	sdelay $0x4  }
0x20: {  	v4 =	vshll.u32 v3, $0x3  }
0x21: {  	v3 =	vand.u32 $0x7, v3;
	v4 =	vand.u32 $0xFFFFFFC0, v4  }
0x22: {  	v3 =	vor.u32 v3, v4  }
0x23: {  	v4 =	vperm.xlane v3, v0;
	_ =	sdelay $0x1  }
0x24: {  	v4 =	vadd.s32 v1, v4;
	_ =	sdelay $0x3  }
0x25: {  	s5 =	simm.s32 $0x0;
	s4 =	simm.s32 $0x4D80  }
0x26: {  	[tilespmem:s4], [sflag:$0x1] =	stream.indirect_vreg.gather [hbm4b:s1+s5], $0x80, v4, vm0, $0xb8;
	[tilespmem:$0xB180] =	vst v63  }
0x27: {  	s16 =	simm.s32 $0x5580;
	v3 =	vperm.xlane v3, v2  }
0x28: {  	[tilespmem:s16], [sflag:$0x1] =	stream.indirect_vreg.gather [hbm4b:s7+s5], $0x80, v4, vm0, $0xb8;
	[tilespmem:$0xB180] =	vst v63  }
0x29: {  	s17 =	simm.s32 $0x5D80;
	v3 =	vadd.s32 v1, v3  }
0x2a: {  	[tilespmem:s17], [sflag:$0x1] =	stream.indirect_vreg.gather [hbm4b:s8+s5], $0x80, v4, vm0, $0xb8;
	[tilespmem:$0xB180] =	vst v63  }
0x2b: {  	s18 =	simm.s32 $0x6580  }
0x2c: {  	[tilespmem:s18], [sflag:$0x1] =	stream.indirect_vreg.gather [hbm4b:s9+s5], $0x80, v4, vm0, $0xb8;
	[tilespmem:$0xB180] =	vst v63  }
0x2d: {  	_ = 	snop  }
0x2e: {  	[tilespmem:s19], [sflag:$0x1] =	stream.indirect_vreg.gather [hbm4b:s1+s5], $0x80, v3, vm0, $0xb8;
	[tilespmem:$0xB180] =	vst v63  }
0x2f: {  	_ = 	snop  }
0x30: {  	[tilespmem:s20], [sflag:$0x1] =	stream.indirect_vreg.gather [hbm4b:s7+s5], $0x80, v3, vm0, $0xb8;
	[tilespmem:$0xB180] =	vst v63  }
0x31: {  	_ = 	snop  }
0x32: {  	[tilespmem:s21], [sflag:$0x1] =	stream.indirect_vreg.gather [hbm4b:s8+s5], $0x80, v3, vm0, $0xb8;
	[tilespmem:$0xB180] =	vst v63  }
0x33: {  	s0 =	sor.u32 $0x10, s0  }
0x34: {  	[tilespmem:s22], [sflag:$0x1] =	stream.indirect_vreg.gather [hbm4b:s9+s5], $0x80, v3, vm0, $0xb8;
	[tilespmem:$0xB180] =	vst v63  }
0x35: {  	v3 =	vld.msk [tilespmem:s0+$0x0], $0xff;
	_ =	sdelay $0x4  }
0x36: {  	v4 =	vshll.u32 v3, $0x3  }
0x37: {  	v3 =	vand.u32 $0x7, v3;
	v4 =	vand.u32 $0xFFFFFFC0, v4  }
0x38: {  	v3 =	vor.u32 v3, v4  }
0x39: {  	v3 =	vperm.xlane v3, v0;
	_ =	sdelay $0x1  }
0x3a: {  	v3 =	vadd.s32 v1, v3;
	_ =	sdelay $0x4  }
0x3b: {  	[tilespmem:s23], [sflag:$0x1] =	stream.indirect_vreg.gather [hbm4b:s1+s5], $0x80, v3, vm0, $0xb8;
	[tilespmem:$0xB180] =	vst v63  }
0x3c: {  	_ = 	snop  }
0x3d: {  	[tilespmem:s24], [sflag:$0x1] =	stream.indirect_vreg.gather [hbm4b:s7+s5], $0x80, v3, vm0, $0xb8;
	[tilespmem:$0xB180] =	vst v63  }
0x3e: {  	_ = 	snop  }
0x3f: {  	[tilespmem:s25], [sflag:$0x1] =	stream.indirect_vreg.gather [hbm4b:s8+s5], $0x80, v3, vm0, $0xb8;
	[tilespmem:$0xB180] =	vst v63  }
0x40: {  	v4 =	vmov s12  }
0x41: {  	[tilespmem:s26], [sflag:$0x1] =	stream.indirect_vreg.gather [hbm4b:s9+s5], $0x80, v3, vm0, $0xb8;
	[tilespmem:$0xB180] =	vst v63  }
0x42: {  	_ =	swait.ge [sflag:s28], $0x6000  }
0x43: {  	[sflag:s28] =	ssyncset.done $0x0  }
0x44: {  	[sflag:s28] =	ssyncadd.s32 $0xFFFFA000  }
0x45: {  	s4 =	sadd.s32 $0x1, s12;
	v3 =	vld.idx.msk [tilespmem:v4+s14+$0x0], $0xffff  }
0x46: {  	s11 =	simm.s32 $0x80;
	s15 =	simm.s32 $0x0;
	s0 =	simm.s32 $0x40;
	v4 =	vmov s4  }
.LBB2_3:
0x47: {  	p0 =	sne.s32 s11, $0x4C0;
	_ =	sdelay $0x1  }
.Ltmp0:
0x48: {  	s16 =	sshra.s32 s15, $0x2;
	s15 =	smov.u32 s0;
	(pc) =	sbr.rel @p0 .LBB2_3-.Ltmp0, $4  }
0x49: {  	s0 =	smov.u32 s11;
	[tilespmem:s16+$0x4C00] =	vst v3  }
0x4a: {  	v3 =	vld.idx.msk [tilespmem:v4+s14+$0x0], $0xffff  }
0x4b: {  	s4 =	sadd.s32 $0x1, s4  }
0x4c: {  	s11 =	sadd.s32 $0x40, s11;
	v4 =	vmov s4  }
0x4d: {  	_ =	sdelay $0x1  }
0x4e: {  	s4 =	sshra.s32 s15, $0x2  }
0x4f: {  	[tilespmem:s4+$0x4C00] =	vst v3  }
0x50: {  	v3 =	vld.idx.msk [tilespmem:v4+s14+$0x0], $0xffff;
	_ =	sdelay $0x3  }
0x51: {  	s0 =	sshra.s32 s0, $0x2  }
0x52: {  	[tilespmem:s0+$0x4C00] =	vst v3  }
.LBB2_5:
0x53: {  	s11 =	sshll.u32 s5, $0x4  }
0x54: {  	s4 =	sshll.u32 s5, $0x7;
	s0 =	sand.u32 $0x70, s11  }
0x55: {  	s15 =	simm.s32 $0x0;
	s17 =	sand.u32 $0x1C00, s4;
	v3 =	vmov s0  }
0x56: {  	s18 =	sand.u32 $0x6000, s15;
	s4 =	sadd.s32 $0x4D80, s17  }
0x57: {  	s15 =	sand.u32 $0x380, s15;
	s0 =	sadd.s32 s18, s4  }
0x58: {  	s15 =	sadd.s32 s15, s0;
	s0 =	simm.s32 $0x4C00  }
0x59: {  	v6 =	vld [tilespmem:s0+$0x0]  }
0x5a: {  	v5 =	vld.idx.msk [tilespmem:v3+s15+$0x0 ss:$0x1], $0xffff  }
0x5b: {  	v4 =	vimm.f32 $0.0e+00;
	s16 =	simm.s32 $0x80;
	s15 =	simm.s32 $0x400  }
.LBB2_6:
0x5c: {  	s17 =	sand.u32 $0x6000, s15;
	p0 =	sne.s32 s15, $0x4C00;
	s15 =	sadd.s32 $0x400, s15  }
.Ltmp1:
0x5d: {  	s18 =	sand.u32 $0x380, s16;
	s17 =	sadd.s32 s17, s4;
	(pc) =	sbr.rel @p0 .LBB2_6-.Ltmp1, $4  }
0x5e: {  	s17 =	sadd.s32 s18, s17  }
0x5f: {  	s0 =	sadd.s32 $0x10, s0;
	v7 =	vmul.f32 v6, v5;
	v5 =	vld.idx.msk [tilespmem:v3+s17+$0x0 ss:$0x1], $0xffff  }
0x60: {  	v6 =	vld [tilespmem:s0+$0x0]  }
0x61: {  	s16 =	sadd.s32 $0x80, s16;
	v4 =	vadd.f32 v7, v4  }
0x62: {  	_ = 	snop  }
0x63: {  	s5 =	sadd.s32 $0x1, s5  }
0x64: {  	p0 =	sne.s32 s5, $0x40  }
.Ltmp2:
0x65: {  	v3 =	vmul.f32 v6, v5;
	(pc) =	sbr.rel @p0 .LBB2_5-.Ltmp2, $3  }
0x66: {  	_ = 	snop  }
0x67: {  	v3 =	vadd.f32 v3, v4;
	_ =	sdelay $0x1  }
0x68: {  	[tilespmem:s11+$0xAD80] =	vst v3  }
0x69: {  	s0 =	sshll.u32 s3, $0x4;
	s2 =	sadd.s32 $0x1, s2  }
0x6a: {  	s0 =	sand.u32 $0x70, s0;
	p0 =	sne.s32 s2, $0x4  }
.Ltmp3:
0x6b: {  	s0 =	sadd.s32 s0, s10;
	(pc) =	sbr.rel @p0 .LBB2_2-.Ltmp3, $4  }
0x6c: {  	[hbm4b:s0+s29] =	stream.strided.scatter [tilespmem:s31], [sflag:$0x2], $0x400, s30, s29, $0x38;
	[tilespmem:$0xB180] =	vst v63  }
0x6d: {  	_ =	swait.ge [sflag:s13], $0x400  }
0x6e: {  	[sflag:s13] =	ssyncset.done $0x0  }
0x6f: {  	s12 =	sadd.s32 $0x18, s12;
	[sflag:s13] =	ssyncadd.s32 $0xFFFFFC00  }
0x70: {  	s2 =	rddreg [dreg:$0x8]  }
0x71: {  	s0 =	rddreg [dreg:$0x6];
	s2 =	sadd.s32 $0x1, s2  }
0x72: {  	p0 =	sne.s32 s2, s0  }
.Ltmp4:
0x73: {  	_ = 	snop;
	(pc) =	sbr.rel @p0 .LBB2_1-.Ltmp4, $1  }
0x74: {  	_ =	sdelay $0x3  }
0x75: {  	_ =	sfence.sel $0x180000  }
0x76: {  	[bflag:$0x0] =	sbarrier.arrive $0xFFFF  }
0x77: {  	_ =	strace $0x90000047  }
0x78: {  	s0 =	stileid.u32;
	[bflag:$0x2] =	sbarrier.arrive $0xFFFF  }
0x79: {  	p0 =	sne.s32 s0, $0x0;
	s0 =	rddreg [dreg:$0x4]  }
0x7a: {  	s0 =	sadd.s32 @!p0 $0x100000, s0  }
0x7b: {  	[sflag:s0] =	ssyncadd.tile.s32 @!p0 $0x1;
	_ =	shalt  }
.Lfunc_end2:
_tile_overlayer_lowered:
.L_overlay_start_2:
0x7c: {  	(tag) =	ssettag $0x2  }
0x7d: {  	s0 =	rddreg [dreg:$0x0];
	s2 =	stileid.u32  }
0x7e: {  	s1 =	rddreg [dreg:$0x1];
	p0 =	sne.s32 s2, $0x0  }
0x7f: {  	s3 =	rddreg [dreg:$0x2];
	[bflag:$0x3] =	sbarrier.arrive $0xFFFF;
	s2 =	simm.s32 @!p0 $0x1C02  }
0x80: {  	[timem:s3], [sflag:s2] =	dma.local @!p0 [hbm:s0], s1  }
0x81: {  	s0 =	simm.s32 @!p0 $0x2  }
0x82: {  	_ =	swait.ge @!p0 [sflag:s0], s1  }
0x83: {  	s1 =	ssub.s32 @!p0 $0x0, s1;
	[sflag:s0] =	ssyncset.done @!p0 $0x0  }
0x84: {  	[sflag:s0] =	ssyncadd.s32 @!p0 s1  }
0x85: {  	[bflag:$0x3] =	sbarrier.arrive $0xFFFF  }
0x86: {  	_ =	shalt  }

</sc_bundles>
